<compile_context>
chip_gen: v7x
topology: tpu7x:2x2x1
jax: 0.10.2.dev20260603
libtpu: 0.0.44.dev20260713+nightly
codegen_flags: <defaults>
</compile_context>

<pallas_src>
import functools

import jax
import jax.numpy as jnp
from jax import lax
from jax.experimental import pallas as pl
from jax.experimental.pallas import tpu as pltpu
from jax.experimental.pallas import tpu_sc as plsc

_NC, _NS = 2, 16
_JB = 1
_IB = 32


@jax.jit
def _lookup(table, x):
    V, D = table.shape
    N, S = x.shape
    B = N * S
    jpw = S // _JB
    ipw = N // _IB
    xt = jnp.transpose(x)
    mesh = plsc.VectorSubcoreMesh(
        core_axis_name="c", subcore_axis_name="s",
        num_cores=_NC, num_subcores=_NS,
    )

    @functools.partial(
        pl.kernel,
        mesh=mesh,
        out_type=jax.ShapeDtypeStruct((B, D), jnp.float32),
        compiler_params=pltpu.CompilerParams(use_tc_tiling_on_sc=True),
        scratch_types=[
            pltpu.VMEM((jpw, ipw), jnp.int32),
            pltpu.VMEM((ipw, D), jnp.float32),
            pltpu.VMEM((ipw, D), jnp.float32),
            pltpu.SemaphoreType.DMA,
            pltpu.SemaphoreType.DMA,
            pltpu.SemaphoreType.DMA,
            pltpu.SemaphoreType.DMA,
        ],
    )
    def k(table_hbm, xt_hbm, out_hbm, idx_v, rows0, rows1, g0, g1, s0, s1):
        wid = lax.axis_index("s") * _NC + lax.axis_index("c")
        i0 = pl.multiple_of(wid * ipw, ipw)
        rows = (rows0, rows1)
        gsem = (g0, g1)
        ssem = (s0, s1)
        pltpu.sync_copy(xt_hbm.at[:, pl.ds(i0, ipw)], idx_v)

        def gather(j, b):
            pltpu.async_copy(
                table_hbm.at[idx_v.at[j]], rows[b], gsem[b]
            )

        def gwait(b):
            pltpu.make_async_copy(
                table_hbm.at[idx_v.at[0]], rows[b], gsem[b]
            ).wait()

        def store(j, b):
            off = pl.multiple_of(j * N + i0, ipw)
            pltpu.async_copy(
                rows[b], out_hbm.at[pl.ds(off, ipw)], ssem[b]
            )

        def swait(b):
            pltpu.make_async_copy(
                rows[b], out_hbm.at[pl.ds(i0, ipw)], ssem[b]
            ).wait()

        gather(0, 0)
        gather(1, 1)

        @pl.loop(0, jpw - 3, step=2)
        def _(j):
            for t in range(2):
                gwait(t)
                store(j + t, t)
                swait(t)
                gather(j + t + 2, t)

        for t in range(2):
            gwait(t)
            store(jpw - 2 + t, t)
        swait(0)
        swait(1)

    out = k(table, xt)
    return out.reshape(S, N, D).transpose(1, 0, 2)


def kernel(x, embedding_matrix):
    return _lookup(embedding_matrix, x.astype(jnp.int32))

# --- scband reference (transcript-rebuilt; emitter-appended) ---
"""Pipeline reference for scband-embedding-module-1795296330321 (READ-ONLY COPY).

The authoritative reference and input builder live on the scoring server;
editing this copy changes nothing except your own understanding.
"""

import jax, jax.numpy as jnp
import numpy as np

NUM_EMBEDDINGS = 100000
EMBEDDING_DIM = 128

def setup_inputs(seed: int = 0) -> dict:
    key = jax.random.key(seed)
    k1, k2 = jax.random.split(key)
    x = jax.random.randint(k1, (4096, 50), 0, NUM_EMBEDDINGS, dtype=jnp.int64 if jax.config.jax_enable_x64 else jnp.int32)
    # trunc_normal init (mean=0, std=1, a=-3, b=3) approximated via truncated_normal
    embedding_matrix = jax.random.truncated_normal(k2, -3.0, 3.0, (NUM_EMBEDDINGS, EMBEDDING_DIM), dtype=jnp.float32)
    return {"x": x, "embedding_matrix": embedding_matrix}

def reference(x, embedding_matrix):
    # Faithful translation of: self.embedding_matrix[x]
    return jnp.take(embedding_matrix, x, axis=0)

if __name__ == "__main__":
    import jax
    _d = setup_inputs()
    print(jax.jit(kernel)(*tuple(_d.values())))

</pallas_src>

<mosaic_0001>
#map = affine_map<(d0, d1) -> (0, 0)>
module attributes {stable_mosaic.version = 14 : i64} {
  func.func @k(%arg0: i32, %arg1: i32, %arg2: memref<100000x128xf32, #tpu.memory_space<hbm>>, %arg3: memref<50x4096xi32, #tpu.memory_space<hbm>>, %arg4: memref<204800x128xf32, #tpu.memory_space<hbm>>, %arg5: memref<50x128xi32, #tpu.memory_space<vmem>>, %arg6: memref<128x128xf32, #tpu.memory_space<vmem>>, %arg7: memref<128x128xf32, #tpu.memory_space<vmem>>, %arg8: memref<!tpu.dma_semaphore, #tpu.memory_space<semaphore_mem>>, %arg9: memref<!tpu.dma_semaphore, #tpu.memory_space<semaphore_mem>>, %arg10: memref<!tpu.dma_semaphore, #tpu.memory_space<semaphore_mem>>, %arg11: memref<!tpu.dma_semaphore, #tpu.memory_space<semaphore_mem>>) attributes {dimension_semantics = [#tpu.dimension_semantics<core_parallel>, #tpu.dimension_semantics<subcore_parallel>], iteration_bounds = array<i64: 2, 16>, scalar_prefetch = 0 : i64, scratch_operands = 7 : i64, tpu.core_type = #tpu.core_type<sc_vector_subcore>, window_params = [{transform_indices = #map}, {transform_indices = #map}, {transform_indices = #map}]} {
    %mul3A = arith.constant 2 : i32
    %mul3A_0 = arith.muli %arg1, %mul3A : i32
    %add3A = arith.addi %mul3A_0, %arg0 : i32
    %mul3A_1 = arith.constant 128 : i32
    %mul3A_2 = arith.muli %add3A, %mul3A_1 : i32
    %multiple_of3A = tpu.assume_multiple %mul3A_2, 128 : i32
    "tpu.region"() ({
      %run_scoped3A = tpu.sem_alloc : memref<!tpu.dma_semaphore, #tpu.memory_space<semaphore_mem>>
      %dma_start3A_55 = arith.constant 0 : i32
      %dma_start3A_56 = tpu.memref_slice %arg3[%dma_start3A_55, %multiple_of3A] : memref<50x4096xi32, #tpu.memory_space<hbm>> -> memref<50x128xi32, #tpu.memory_space<hbm>>
      %dma_start3A_57 = arith.constant 0 : i32
      %dma_start3A_58 = tpu.memref_slice %arg3[%dma_start3A_57, %multiple_of3A] : memref<50x4096xi32, #tpu.memory_space<hbm>> -> memref<50x128xi32, #tpu.memory_space<hbm>>
      tpu.enqueue_dma source(%dma_start3A_58 : memref<50x128xi32, #tpu.memory_space<hbm>>) target(%arg5 : memref<50x128xi32, #tpu.memory_space<vmem>>) target_semaphore(%run_scoped3A : memref<!tpu.dma_semaphore, #tpu.memory_space<semaphore_mem>>)
      %dma_wait3A_59 = arith.constant 0 : i32
      %dma_wait3A_60 = tpu.memref_slice %arg3[%dma_wait3A_59, %multiple_of3A] : memref<50x4096xi32, #tpu.memory_space<hbm>> -> memref<50x128xi32, #tpu.memory_space<hbm>>
      %dma_wait3A_61 = arith.constant 0 : i32
      %dma_wait3A_62 = tpu.memref_slice %arg3[%dma_wait3A_61, %multiple_of3A] : memref<50x4096xi32, #tpu.memory_space<hbm>> -> memref<50x128xi32, #tpu.memory_space<hbm>>
      tpu.wait_dma2 semaphore(%run_scoped3A : memref<!tpu.dma_semaphore, #tpu.memory_space<semaphore_mem>>) src(%dma_wait3A_62 : memref<50x128xi32, #tpu.memory_space<hbm>>) dst(%arg5 : memref<50x128xi32, #tpu.memory_space<vmem>>)
      tpu.yield
    }) : () -> ()
    %dma_start3A = arith.constant 0 : i32
    %dma_start3A_3 = arith.constant 0 : i32
    %dma_start3A_4 = tpu.memref_slice %arg5[%dma_start3A, %dma_start3A_3] : memref<50x128xi32, #tpu.memory_space<vmem>> -> memref<1x128xi32, #tpu.memory_space<vmem>>
    %dma_start3A_5 = tpu.memref_squeeze %dma_start3A_4 : memref<1x128xi32, #tpu.memory_space<vmem>> -> memref<128xi32, #tpu.memory_space<vmem>>
    %dma_start3A_6 = arith.constant 0 : i32
    %dma_start3A_7 = arith.constant 0 : i32
    %dma_start3A_8 = tpu.memref_slice %arg2[%dma_start3A_6, %dma_start3A_7] : memref<100000x128xf32, #tpu.memory_space<hbm>> -> memref<100000x128xf32, #tpu.memory_space<hbm>>
    tpu.enqueue_indirect_dma source(%dma_start3A_8 : memref<100000x128xf32, #tpu.memory_space<hbm>>) target(%arg6 : memref<128x128xf32, #tpu.memory_space<vmem>>) offsets(%dma_start3A_5 : memref<128xi32, #tpu.memory_space<vmem>>) semaphore(%arg8 : memref<!tpu.dma_semaphore, #tpu.memory_space<semaphore_mem>>)
    %dma_start3A_9 = arith.constant 1 : i32
    %dma_start3A_10 = arith.constant 0 : i32
    %dma_start3A_11 = tpu.memref_slice %arg5[%dma_start3A_9, %dma_start3A_10] : memref<50x128xi32, #tpu.memory_space<vmem>> -> memref<1x128xi32, #tpu.memory_space<vmem>>
    %dma_start3A_12 = tpu.memref_squeeze %dma_start3A_11 : memref<1x128xi32, #tpu.memory_space<vmem>> -> memref<128xi32, #tpu.memory_space<vmem>>
    %dma_start3A_13 = arith.constant 0 : i32
    %dma_start3A_14 = arith.constant 0 : i32
    %dma_start3A_15 = tpu.memref_slice %arg2[%dma_start3A_13, %dma_start3A_14] : memref<100000x128xf32, #tpu.memory_space<hbm>> -> memref<100000x128xf32, #tpu.memory_space<hbm>>
    tpu.enqueue_indirect_dma source(%dma_start3A_15 : memref<100000x128xf32, #tpu.memory_space<hbm>>) target(%arg7 : memref<128x128xf32, #tpu.memory_space<vmem>>) offsets(%dma_start3A_12 : memref<128xi32, #tpu.memory_space<vmem>>) semaphore(%arg9 : memref<!tpu.dma_semaphore, #tpu.memory_space<semaphore_mem>>)
    %scan3A = arith.constant 0 : i32
    %scan3A_16 = arith.constant 24 : i32
    %scan3A_17 = arith.addi %scan3A, %scan3A_16 : i32
    %scan3A_18 = arith.constant 1 : i32
    scf.for %scan3A_55 = %scan3A to %scan3A_17 step %scan3A_18  : i32 {
      %mul3A_56 = arith.constant 2 : i32
      %mul3A_57 = arith.muli %scan3A_55, %mul3A_56 : i32
      %add3A_58 = arith.constant 0 : i32
      %add3A_59 = arith.addi %add3A_58, %mul3A_57 : i32
      %dma_wait3A_60 = arith.constant 0 : i32
      %dma_wait3A_61 = arith.constant 0 : i32
      %dma_wait3A_62 = tpu.memref_slice %arg5[%dma_wait3A_60, %dma_wait3A_61] : memref<50x128xi32, #tpu.memory_space<vmem>> -> memref<1x128xi32, #tpu.memory_space<vmem>>
      %dma_wait3A_63 = tpu.memref_squeeze %dma_wait3A_62 : memref<1x128xi32, #tpu.memory_space<vmem>> -> memref<128xi32, #tpu.memory_space<vmem>>
      %dma_wait3A_64 = arith.constant 0 : i32
      %dma_wait3A_65 = arith.constant 0 : i32
      %dma_wait3A_66 = tpu.memref_slice %arg2[%dma_wait3A_64, %dma_wait3A_65] : memref<100000x128xf32, #tpu.memory_space<hbm>> -> memref<100000x128xf32, #tpu.memory_space<hbm>>
      tpu.wait_indirect_dma semaphore(%arg8 : memref<!tpu.dma_semaphore, #tpu.memory_space<semaphore_mem>>) src(%dma_wait3A_66 : memref<100000x128xf32, #tpu.memory_space<hbm>>) dst(%arg6 : memref<128x128xf32, #tpu.memory_space<vmem>>)
      %add3A_67 = arith.constant 0 : i32
      %add3A_68 = arith.addi %add3A_59, %add3A_67 : i32
      %mul3A_69 = arith.constant 4096 : i32
      %mul3A_70 = arith.muli %add3A_68, %mul3A_69 : i32
      %add3A_71 = arith.addi %mul3A_70, %multiple_of3A : i32
      %multiple_of3A_72 = tpu.assume_multiple %add3A_71, 128 : i32
      %dma_start3A_73 = arith.constant 0 : i32
      %dma_start3A_74 = tpu.memref_slice %arg4[%multiple_of3A_72, %dma_start3A_73] : memref<204800x128xf32, #tpu.memory_space<hbm>> -> memref<128x128xf32, #tpu.memory_space<hbm>>
      %dma_start3A_75 = arith.constant 0 : i32
      %dma_start3A_76 = tpu.memref_slice %arg4[%multiple_of3A_72, %dma_start3A_75] : memref<204800x128xf32, #tpu.memory_space<hbm>> -> memref<128x128xf32, #tpu.memory_space<hbm>>
      tpu.enqueue_dma source(%arg6 : memref<128x128xf32, #tpu.memory_space<vmem>>) target(%dma_start3A_76 : memref<128x128xf32, #tpu.memory_space<hbm>>) target_semaphore(%arg10 : memref<!tpu.dma_semaphore, #tpu.memory_space<semaphore_mem>>)
      %dma_wait3A_77 = arith.constant 0 : i32
      %dma_wait3A_78 = tpu.memref_slice %arg4[%multiple_of3A, %dma_wait3A_77] : memref<204800x128xf32, #tpu.memory_space<hbm>> -> memref<128x128xf32, #tpu.memory_space<hbm>>
      %dma_wait3A_79 = arith.constant 0 : i32
      %dma_wait3A_80 = tpu.memref_slice %arg4[%multiple_of3A, %dma_wait3A_79] : memref<204800x128xf32, #tpu.memory_space<hbm>> -> memref<128x128xf32, #tpu.memory_space<hbm>>
      tpu.wait_dma2 semaphore(%arg10 : memref<!tpu.dma_semaphore, #tpu.memory_space<semaphore_mem>>) src(%arg6 : memref<128x128xf32, #tpu.memory_space<vmem>>) dst(%dma_wait3A_80 : memref<128x128xf32, #tpu.memory_space<hbm>>)
      %add3A_81 = arith.constant 0 : i32
      %add3A_82 = arith.addi %add3A_59, %add3A_81 : i32
      %add3A_83 = arith.constant 2 : i32
      %add3A_84 = arith.addi %add3A_82, %add3A_83 : i32
      %dma_start3A_85 = arith.constant 0 : i32
      %dma_start3A_86 = tpu.memref_slice %arg5[%add3A_84, %dma_start3A_85] : memref<50x128xi32, #tpu.memory_space<vmem>> -> memref<1x128xi32, #tpu.memory_space<vmem>>
      %dma_start3A_87 = tpu.memref_squeeze %dma_start3A_86 : memref<1x128xi32, #tpu.memory_space<vmem>> -> memref<128xi32, #tpu.memory_space<vmem>>
      %dma_start3A_88 = arith.constant 0 : i32
      %dma_start3A_89 = arith.constant 0 : i32
      %dma_start3A_90 = tpu.memref_slice %arg2[%dma_start3A_88, %dma_start3A_89] : memref<100000x128xf32, #tpu.memory_space<hbm>> -> memref<100000x128xf32, #tpu.memory_space<hbm>>
      tpu.enqueue_indirect_dma source(%dma_start3A_90 : memref<100000x128xf32, #tpu.memory_space<hbm>>) target(%arg6 : memref<128x128xf32, #tpu.memory_space<vmem>>) offsets(%dma_start3A_87 : memref<128xi32, #tpu.memory_space<vmem>>) semaphore(%arg8 : memref<!tpu.dma_semaphore, #tpu.memory_space<semaphore_mem>>)
      %dma_wait3A_91 = arith.constant 0 : i32
      %dma_wait3A_92 = arith.constant 0 : i32
      %dma_wait3A_93 = tpu.memref_slice %arg5[%dma_wait3A_91, %dma_wait3A_92] : memref<50x128xi32, #tpu.memory_space<vmem>> -> memref<1x128xi32, #tpu.memory_space<vmem>>
      %dma_wait3A_94 = tpu.memref_squeeze %dma_wait3A_93 : memref<1x128xi32, #tpu.memory_space<vmem>> -> memref<128xi32, #tpu.memory_space<vmem>>
      %dma_wait3A_95 = arith.constant 0 : i32
      %dma_wait3A_96 = arith.constant 0 : i32
      %dma_wait3A_97 = tpu.memref_slice %arg2[%dma_wait3A_95, %dma_wait3A_96] : memref<100000x128xf32, #tpu.memory_space<hbm>> -> memref<100000x128xf32, #tpu.memory_space<hbm>>
      tpu.wait_indirect_dma semaphore(%arg9 : memref<!tpu.dma_semaphore, #tpu.memory_space<semaphore_mem>>) src(%dma_wait3A_97 : memref<100000x128xf32, #tpu.memory_space<hbm>>) dst(%arg7 : memref<128x128xf32, #tpu.memory_space<vmem>>)
      %add3A_98 = arith.constant 1 : i32
      %add3A_99 = arith.addi %add3A_59, %add3A_98 : i32
      %mul3A_100 = arith.constant 4096 : i32
      %mul3A_101 = arith.muli %add3A_99, %mul3A_100 : i32
      %add3A_102 = arith.addi %mul3A_101, %multiple_of3A : i32
      %multiple_of3A_103 = tpu.assume_multiple %add3A_102, 128 : i32
      %dma_start3A_104 = arith.constant 0 : i32
      %dma_start3A_105 = tpu.memref_slice %arg4[%multiple_of3A_103, %dma_start3A_104] : memref<204800x128xf32, #tpu.memory_space<hbm>> -> memref<128x128xf32, #tpu.memory_space<hbm>>
      %dma_start3A_106 = arith.constant 0 : i32
      %dma_start3A_107 = tpu.memref_slice %arg4[%multiple_of3A_103, %dma_start3A_106] : memref<204800x128xf32, #tpu.memory_space<hbm>> -> memref<128x128xf32, #tpu.memory_space<hbm>>
      tpu.enqueue_dma source(%arg7 : memref<128x128xf32, #tpu.memory_space<vmem>>) target(%dma_start3A_107 : memref<128x128xf32, #tpu.memory_space<hbm>>) target_semaphore(%arg11 : memref<!tpu.dma_semaphore, #tpu.memory_space<semaphore_mem>>)
      %dma_wait3A_108 = arith.constant 0 : i32
      %dma_wait3A_109 = tpu.memref_slice %arg4[%multiple_of3A, %dma_wait3A_108] : memref<204800x128xf32, #tpu.memory_space<hbm>> -> memref<128x128xf32, #tpu.memory_space<hbm>>
      %dma_wait3A_110 = arith.constant 0 : i32
      %dma_wait3A_111 = tpu.memref_slice %arg4[%multiple_of3A, %dma_wait3A_110] : memref<204800x128xf32, #tpu.memory_space<hbm>> -> memref<128x128xf32, #tpu.memory_space<hbm>>
      tpu.wait_dma2 semaphore(%arg11 : memref<!tpu.dma_semaphore, #tpu.memory_space<semaphore_mem>>) src(%arg7 : memref<128x128xf32, #tpu.memory_space<vmem>>) dst(%dma_wait3A_111 : memref<128x128xf32, #tpu.memory_space<hbm>>)
      %add3A_112 = arith.constant 1 : i32
      %add3A_113 = arith.addi %add3A_59, %add3A_112 : i32
      %add3A_114 = arith.constant 2 : i32
      %add3A_115 = arith.addi %add3A_113, %add3A_114 : i32
      %dma_start3A_116 = arith.constant 0 : i32
      %dma_start3A_117 = tpu.memref_slice %arg5[%add3A_115, %dma_start3A_116] : memref<50x128xi32, #tpu.memory_space<vmem>> -> memref<1x128xi32, #tpu.memory_space<vmem>>
      %dma_start3A_118 = tpu.memref_squeeze %dma_start3A_117 : memref<1x128xi32, #tpu.memory_space<vmem>> -> memref<128xi32, #tpu.memory_space<vmem>>
      %dma_start3A_119 = arith.constant 0 : i32
      %dma_start3A_120 = arith.constant 0 : i32
      %dma_start3A_121 = tpu.memref_slice %arg2[%dma_start3A_119, %dma_start3A_120] : memref<100000x128xf32, #tpu.memory_space<hbm>> -> memref<100000x128xf32, #tpu.memory_space<hbm>>
      tpu.enqueue_indirect_dma source(%dma_start3A_121 : memref<100000x128xf32, #tpu.memory_space<hbm>>) target(%arg7 : memref<128x128xf32, #tpu.memory_space<vmem>>) offsets(%dma_start3A_118 : memref<128xi32, #tpu.memory_space<vmem>>) semaphore(%arg9 : memref<!tpu.dma_semaphore, #tpu.memory_space<semaphore_mem>>)
    }
    %scan3A_19 = arith.constant 24 : i32
    %dma_wait3A = arith.constant 0 : i32
    %dma_wait3A_20 = arith.constant 0 : i32
    %dma_wait3A_21 = tpu.memref_slice %arg5[%dma_wait3A, %dma_wait3A_20] : memref<50x128xi32, #tpu.memory_space<vmem>> -> memref<1x128xi32, #tpu.memory_space<vmem>>
    %dma_wait3A_22 = tpu.memref_squeeze %dma_wait3A_21 : memref<1x128xi32, #tpu.memory_space<vmem>> -> memref<128xi32, #tpu.memory_space<vmem>>
    %dma_wait3A_23 = arith.constant 0 : i32
    %dma_wait3A_24 = arith.constant 0 : i32
    %dma_wait3A_25 = tpu.memref_slice %arg2[%dma_wait3A_23, %dma_wait3A_24] : memref<100000x128xf32, #tpu.memory_space<hbm>> -> memref<100000x128xf32, #tpu.memory_space<hbm>>
    tpu.wait_indirect_dma semaphore(%arg8 : memref<!tpu.dma_semaphore, #tpu.memory_space<semaphore_mem>>) src(%dma_wait3A_25 : memref<100000x128xf32, #tpu.memory_space<hbm>>) dst(%arg6 : memref<128x128xf32, #tpu.memory_space<vmem>>)
    %add3A_26 = arith.constant 196608 : i32
    %add3A_27 = arith.addi %add3A_26, %multiple_of3A : i32
    %multiple_of3A_28 = tpu.assume_multiple %add3A_27, 128 : i32
    %dma_start3A_29 = arith.constant 0 : i32
    %dma_start3A_30 = tpu.memref_slice %arg4[%multiple_of3A_28, %dma_start3A_29] : memref<204800x128xf32, #tpu.memory_space<hbm>> -> memref<128x128xf32, #tpu.memory_space<hbm>>
    %dma_start3A_31 = arith.constant 0 : i32
    %dma_start3A_32 = tpu.memref_slice %arg4[%multiple_of3A_28, %dma_start3A_31] : memref<204800x128xf32, #tpu.memory_space<hbm>> -> memref<128x128xf32, #tpu.memory_space<hbm>>
    tpu.enqueue_dma source(%arg6 : memref<128x128xf32, #tpu.memory_space<vmem>>) target(%dma_start3A_32 : memref<128x128xf32, #tpu.memory_space<hbm>>) target_semaphore(%arg10 : memref<!tpu.dma_semaphore, #tpu.memory_space<semaphore_mem>>)
    %dma_wait3A_33 = arith.constant 0 : i32
    %dma_wait3A_34 = arith.constant 0 : i32
    %dma_wait3A_35 = tpu.memref_slice %arg5[%dma_wait3A_33, %dma_wait3A_34] : memref<50x128xi32, #tpu.memory_space<vmem>> -> memref<1x128xi32, #tpu.memory_space<vmem>>
    %dma_wait3A_36 = tpu.memref_squeeze %dma_wait3A_35 : memref<1x128xi32, #tpu.memory_space<vmem>> -> memref<128xi32, #tpu.memory_space<vmem>>
    %dma_wait3A_37 = arith.constant 0 : i32
    %dma_wait3A_38 = arith.constant 0 : i32
    %dma_wait3A_39 = tpu.memref_slice %arg2[%dma_wait3A_37, %dma_wait3A_38] : memref<100000x128xf32, #tpu.memory_space<hbm>> -> memref<100000x128xf32, #tpu.memory_space<hbm>>
    tpu.wait_indirect_dma semaphore(%arg9 : memref<!tpu.dma_semaphore, #tpu.memory_space<semaphore_mem>>) src(%dma_wait3A_39 : memref<100000x128xf32, #tpu.memory_space<hbm>>) dst(%arg7 : memref<128x128xf32, #tpu.memory_space<vmem>>)
    %add3A_40 = arith.constant 200704 : i32
    %add3A_41 = arith.addi %add3A_40, %multiple_of3A : i32
    %multiple_of3A_42 = tpu.assume_multiple %add3A_41, 128 : i32
    %dma_start3A_43 = arith.constant 0 : i32
    %dma_start3A_44 = tpu.memref_slice %arg4[%multiple_of3A_42, %dma_start3A_43] : memref<204800x128xf32, #tpu.memory_space<hbm>> -> memref<128x128xf32, #tpu.memory_space<hbm>>
    %dma_start3A_45 = arith.constant 0 : i32
    %dma_start3A_46 = tpu.memref_slice %arg4[%multiple_of3A_42, %dma_start3A_45] : memref<204800x128xf32, #tpu.memory_space<hbm>> -> memref<128x128xf32, #tpu.memory_space<hbm>>
    tpu.enqueue_dma source(%arg7 : memref<128x128xf32, #tpu.memory_space<vmem>>) target(%dma_start3A_46 : memref<128x128xf32, #tpu.memory_space<hbm>>) target_semaphore(%arg11 : memref<!tpu.dma_semaphore, #tpu.memory_space<semaphore_mem>>)
    %dma_wait3A_47 = arith.constant 0 : i32
    %dma_wait3A_48 = tpu.memref_slice %arg4[%multiple_of3A, %dma_wait3A_47] : memref<204800x128xf32, #tpu.memory_space<hbm>> -> memref<128x128xf32, #tpu.memory_space<hbm>>
    %dma_wait3A_49 = arith.constant 0 : i32
    %dma_wait3A_50 = tpu.memref_slice %arg4[%multiple_of3A, %dma_wait3A_49] : memref<204800x128xf32, #tpu.memory_space<hbm>> -> memref<128x128xf32, #tpu.memory_space<hbm>>
    tpu.wait_dma2 semaphore(%arg10 : memref<!tpu.dma_semaphore, #tpu.memory_space<semaphore_mem>>) src(%arg6 : memref<128x128xf32, #tpu.memory_space<vmem>>) dst(%dma_wait3A_50 : memref<128x128xf32, #tpu.memory_space<hbm>>)
    %dma_wait3A_51 = arith.constant 0 : i32
    %dma_wait3A_52 = tpu.memref_slice %arg4[%multiple_of3A, %dma_wait3A_51] : memref<204800x128xf32, #tpu.memory_space<hbm>> -> memref<128x128xf32, #tpu.memory_space<hbm>>
    %dma_wait3A_53 = arith.constant 0 : i32
    %dma_wait3A_54 = tpu.memref_slice %arg4[%multiple_of3A, %dma_wait3A_53] : memref<204800x128xf32, #tpu.memory_space<hbm>> -> memref<128x128xf32, #tpu.memory_space<hbm>>
    tpu.wait_dma2 semaphore(%arg11 : memref<!tpu.dma_semaphore, #tpu.memory_space<semaphore_mem>>) src(%arg7 : memref<128x128xf32, #tpu.memory_space<vmem>>) dst(%dma_wait3A_54 : memref<128x128xf32, #tpu.memory_space<hbm>>)
    return
  }
}

</mosaic_0001>

<sc_bundles>
// kernel: _lookup.3.cloned.1.call-start
scs
__scs_entry_jumppad:
0x0: {  	(pc) =	sbr.rel $0x88, $3  }
0x1: {  	(tag) =	ssettag $0x0;
	lr =	simm.s32 $0x1  }
0x2: {  	[smem:$0x3F9F] =	sst lr;
	_ =	strace $0xD0000000  }
0x3: {  	_ = 	snop  }
0x4: {  	_ = 	snop  }
0x5: {  	_ = 	snop  }
0x6: {  	_ = 	snop  }
0x7: {  	_ = 	snop  }
__scs_overlays_trampoline_lowered:
0x8: {  	[smem:$0x3FAE] =	sst s0  }
0x9: {  	[smem:$0x3FAF] =	sst s1  }
0xa: {  	[smem:$0x3FB0] =	sst s2  }
0xb: {  	[smem:$0x3FB1] =	sst s3  }
0xc: {  	[smem:$0x3FB2] =	sst s4  }
0xd: {  	[smem:$0x3FB3] =	sst s5  }
0xe: {  	[smem:$0x3FB4] =	sst s6  }
0xf: {  	[smem:$0x3FB5] =	sst s7  }
0x10: {  	[smem:$0x3FB6] =	sst s8  }
0x11: {  	[smem:$0x3FB7] =	sst s9;
	s0 =	simm.s32 @!p0 $0x0  }
0x12: {  	s1 =	sld [smem:$0x3F9D];
	s0 =	simm.s32 @p0 $0x1  }
0x13: {  	[smem:$0x3FB8] =	sst s0;
	s0 =	simm.s32 @!p1 $0x0  }
0x14: {  	s2 =	sld [smem:$0x3F9C];
	s0 =	simm.s32 @p1 $0x1  }
0x15: {  	[smem:$0x3FB9] =	sst s0;
	s0 =	simm.s32 @!p2 $0x0  }
0x16: {  	s3 =	sld [smem:$0x3FDB];
	s0 =	simm.s32 @p2 $0x1  }
0x17: {  	s4 =	simm.s32 $0x1BF5;
	[smem:$0x3FBB] =	sst s0  }
0x18: {  	s0 =	sld [smem:$0x3F9E];
	_ =	swait.ge [sflag:s4], $0x0  }
0x19: {  	s7 =	sld [smem:$0x3F9F]  }
0x1a: {  	s8 =	sadd.s32 $0xFFFFE003, lr  }
0x1b: {  	s9 =	sadd.s32 $0xFFFFFEF7, lr;
	s5 =	simm.s32 $0xFFFFFFFF;
	p2 =	slt.u32 s8, $0xFFFFF086  }
0x1c: {  	p1 =	slt.u32 s9, $0xF7A;
	s5 =	simm.s32 @!p2 $0x0  }
0x1d: {  	s5 =	simm.s32 @p1 $0x1;
	p0 =	seq.s32 s7, s2  }
0x1e: {  	s7 =	smul.u32 @!p0 $0xF7A, s2;
	p2 =	seq.s32 @!p0 s5, $0x0  }
0x1f: {  	s9 =	smul.u32 $0xF7A, s1;
	s8 =	simm.s32 @!p0 $0x1BF5;
	p2 =	por !p2, p0  }
0x20: {  	[sflag:s8] =	ssyncset.s32 @!p0 $0xFFFFF086;
	s6 =	sadd.s32 @!p0 s3, s7;
	s7 =	simm.s32 @!p0 $0x108  }
0x21: {  	s3 =	sadd.s32 s3, s9;
	s6 =	sadd.s32 @!p0 $0x88, s6;
	s7 =	simm.s32 @p2 $0x1082  }
0x22: {  	[simem:s7], [sflag:s8] =	dma.local @!p0 [hbm:s6], $0xF7A  }
0x23: {  	s9 =	sor.u32 $0xD0000000, s2;
	s6 =	simm.s32 $0x108;
	_ =	swait.ge @!p0 [sflag:s8], $0x0  }
0x24: {  	s3 =	sadd.s32 $0x88, s3;
	s6 =	simm.s32 @!p1 $0x1082;
	[sflag:s4] =	ssyncset.s32 $0xFFFFF086  }
0x25: {  	[simem:s6], [sflag:s4] =	dma.local [hbm:s3], $0xF7A  }
0x26: {  	[smem:$0x3F9F] =	sst s1;
	(tag) =	ssettag s2;
	_ =	strace s9  }
0x27: {  	s1 =	sld [smem:$0x3FAF]  }
0x28: {  	s2 =	sld [smem:$0x3FB0]  }
0x29: {  	s4 =	sld [smem:$0x3FB2]  }
0x2a: {  	p0 =	seq.s32 s5, $0x0;
	s5 =	sld [smem:$0x3FB3]  }
0x2b: {  	s6 =	sld [smem:$0x3FB4]  }
0x2c: {  	s7 =	sld [smem:$0x3FB5]  }
0x2d: {  	s3 =	simm.s32 $0x108;
	s8 =	sld [smem:$0x3FB6]  }
0x2e: {  	s3 =	simm.s32 @!p0 $0x1082;
	s9 =	sld [smem:$0x3FB7]  }
0x2f: {  	lr =	sadd.s32 s0, s3;
	s0 =	sld [smem:$0x3FAE]  }
0x30: {  	s3 =	sld [smem:$0x3FB1]  }
0x31: {  	[smem:$0x3FBA] =	sst s10  }
0x32: {  	s10 =	sld [smem:$0x3FB8];
	_ =	sdelay $0x3  }
0x33: {  	p0 =	seq.s32 s10, $0x1;
	s10 =	sld [smem:$0x3FBA];
	_ =	sdelay $0x3  }
0x34: {  	[smem:$0x3FBA] =	sst s10  }
0x35: {  	s10 =	sld [smem:$0x3FB9];
	_ =	sdelay $0x3  }
0x36: {  	p1 =	seq.s32 s10, $0x1;
	s10 =	sld [smem:$0x3FBA];
	_ =	sdelay $0x3  }
0x37: {  	[smem:$0x3FBA] =	sst s10  }
0x38: {  	s10 =	sld [smem:$0x3FBB]  }
0x39: {  	_ = 	snop;
	(pc) =	sbr.ind lr, $3  }
0x3a: {  	_ = 	snop  }
0x3b: {  	_ = 	snop  }
0x3c: {  	p2 =	seq.s32 s10, $0x1;
	s10 =	sld [smem:$0x3FBA]  }
0x3d: {  	_ =	shalt  }
0x3e: {  	_ =	shalt  }
0x3f: {  	_ =	shalt  }
0x40: {  	_ =	shalt  }
0x41: {  	_ =	shalt  }
0x42: {  	_ =	shalt  }
0x43: {  	_ =	shalt  }
0x44: {  	_ =	shalt  }
0x45: {  	_ =	shalt  }
0x46: {  	_ =	shalt  }
0x47: {  	_ =	shalt  }
0x48: {  	_ =	shalt  }
0x49: {  	_ =	shalt  }
0x4a: {  	_ =	shalt  }
0x4b: {  	_ =	shalt  }
0x4c: {  	_ =	shalt  }
0x4d: {  	_ =	shalt  }
0x4e: {  	_ =	shalt  }
0x4f: {  	_ =	shalt  }
0x50: {  	_ =	shalt  }
0x51: {  	_ =	shalt  }
0x52: {  	_ =	shalt  }
0x53: {  	_ =	shalt  }
0x54: {  	_ =	shalt  }
0x55: {  	_ =	shalt  }
0x56: {  	_ =	shalt  }
0x57: {  	_ =	shalt  }
0x58: {  	_ =	shalt  }
0x59: {  	_ =	shalt  }
0x5a: {  	_ =	shalt  }
0x5b: {  	_ =	shalt  }
0x5c: {  	_ =	shalt  }
0x5d: {  	_ =	shalt  }
0x5e: {  	_ =	shalt  }
0x5f: {  	_ =	shalt  }
0x60: {  	_ =	shalt  }
0x61: {  	_ =	shalt  }
0x62: {  	_ =	shalt  }
0x63: {  	_ =	shalt  }
0x64: {  	_ =	shalt  }
0x65: {  	_ =	shalt  }
0x66: {  	_ =	shalt  }
0x67: {  	_ =	shalt  }
0x68: {  	_ =	shalt  }
0x69: {  	_ =	shalt  }
0x6a: {  	_ =	shalt  }
0x6b: {  	_ =	shalt  }
0x6c: {  	_ =	shalt  }
0x6d: {  	_ =	shalt  }
0x6e: {  	_ =	shalt  }
0x6f: {  	_ =	shalt  }
0x70: {  	_ =	shalt  }
0x71: {  	_ =	shalt  }
0x72: {  	_ =	shalt  }
0x73: {  	_ =	shalt  }
0x74: {  	_ =	shalt  }
0x75: {  	_ =	shalt  }
0x76: {  	_ =	shalt  }
0x77: {  	_ =	shalt  }
0x78: {  	_ =	shalt  }
0x79: {  	_ =	shalt  }
0x7a: {  	_ =	shalt  }
0x7b: {  	_ =	shalt  }
0x7c: {  	_ =	shalt  }
0x7d: {  	_ =	shalt  }
0x7e: {  	_ =	shalt  }
0x7f: {  	_ =	shalt  }
0x80: {  	_ =	shalt  }
0x81: {  	_ =	shalt  }
0x82: {  	_ =	shalt  }
0x83: {  	_ =	shalt  }
0x84: {  	_ =	shalt  }
0x85: {  	_ =	shalt  }
0x86: {  	_ =	shalt  }
0x87: {  	_ =	shalt  }
.Lfunc_end0:
.L_simem_size_0:
called_computation_lowered:
.L_overlay_start_0:
0x88: {  	s2 =	sld [smem:$0x3FD9]  }
0x89: {  	s3 =	sld [smem:$0x3FFE];
	_ =	sdelay $0x1  }
0x8a: {  	s1 =	srdreg.scid  }
0x8b: {  	s0 =	sand.u32 $0x1, s1  }
0x8c: {  	s18 =	sshll.u32 s0, $0xA;
	s2 =	sadd.s32 s3, s2  }
0x8d: {  	s2 =	sadd.s32 s2, s18  }
0x8e: {  	[smem:$0x3FC6] =	sst s2  }
0x8f: {  	_ = 	snop  }
0x90: {  	s2 =	sld [smem:$0x3FC9]  }
0x91: {  	s19 =	sld [smem:$0x3FC8]  }
0x92: {  	s4 =	sld [smem:$0x3FD0];
	(tm) =	ssettm $0x1  }
0x93: {  	s5 =	sld [smem:$0x3FFB];
	_ =	sdelay $0x3  }
0x94: {  	_ =	strace s5  }
0x95: {  	s5 =	sld [smem:$0x3FFC];
	_ =	sdelay $0x3  }
0x96: {  	_ =	strace s5  }
0x97: {  	s5 =	sld [smem:$0x3FFD];
	_ =	sdelay $0x3  }
0x98: {  	_ =	strace s5  }
0x99: {  	_ =	strace $0x8FFFFFFF  }
0x9a: {  	s20 =	sld [smem:$0x3FDB];
	_ =	sdelay $0x1  }
0x9b: {  	s6 =	simm.s32 $_scs_section_size  }
0x9c: {  	s7 =	simm.s32 $_size__tile_overlayer_lowered;
	s8 =	simm.s32 $_tile_overlayer_lowered  }
0x9d: {  	s23 =	simm.s32 $0x1BFF;
	s22 =	sshll.u32 s8, $0x1;
	s5 =	sadd.s32 s6, s20  }
0x9e: {  	s9 =	simm.s32 $0x0;
	s21 =	sshll.u32 s7, $0x1;
	s7 =	sadd.s32 s22, s5  }
0x9f: {  	[timem:s9], [sflag:s23] =	dma.local [hbm:s7], s21  }
0xa0: {  	_ =	swait.ge [sflag:s23], s21  }
0xa1: {  	s6 =	ssub.s32 $0x0, s21;
	[sflag:s23] =	ssyncset.done $0x0  }
0xa2: {  	[sflag:s23] =	ssyncadd.s32 s6;
	_ =	sdelay $0x1  }
0xa3: {  	s24 =	simm.s32 $0x1B8B  }
0xa4: {  	_ =	swait.ge [sflag:s24], $0x1  }
0xa5: {  	[sflag:s24] =	ssyncset.done $0x0  }
0xa6: {  	s25 =	simm.s32 $0x1B8E;
	[sflag:s24] =	ssyncadd.s32 $0xFFFFFFFF  }
0xa7: {  	s26 =	simm.s32 $execute0_lowered;
	[smem:$0x3FD2] =	sst s25  }
0xa8: {  	s6 =	sshll.u32 s26, $0x1;
	_ =	strace $0x80000046;
	[dreg:$0x1] =	wrdreg $0xFFFFFFFF  }
0xa9: {  	s28 =	simm.s32 $_size_execute0_lowered;
	s5 =	sadd.s32 s5, s6;
	[dreg:$0x0] =	wrdreg $0x0  }
0xaa: {  	s6 =	sshll.u32 s28, $0x1;
	[dreg:$0x2] =	wrdreg s5  }
0xab: {  	[dreg:$0x3] =	wrdreg s6  }
0xac: {  	[dreg:$0x4] =	wrdreg $0xC0  }
0xad: {  	_ =	task [dreg:s9], $0x5FFFF  }
0xae: {  	[dreg:$0x1] =	wrdreg $0xFFFFFFFF  }
0xaf: {  	[dreg:$0x0] =	wrdreg $0x60  }
0xb0: {  	[dreg:$0x2] =	wrdreg s2  }
0xb1: {  	[dreg:$0x3] =	wrdreg s19  }
0xb2: {  	[dreg:$0x4] =	wrdreg s4  }
0xb3: {  	[dreg:$0x5] =	wrdreg $0x9  }
0xb4: {  	_ =	task.clear_ibuf [dreg:s9], $0x6FFFF;
	_ =	strace $0x90000046  }
0xb5: {  	s29 =	simm.s32 $0x9;
	_ =	strace $0x80000048  }
0xb6: {  	_ =	swait.ge [sflag:s29], $0x1  }
0xb7: {  	[sflag:s29] =	ssyncadd.s32 $0xFFFFFFFF  }
0xb8: {  	_ =	strace $0x90000048  }
0xb9: {  	_ =	sfence  }
0xba: {  	s30 =	sld [smem:$0x0];
	_ =	sdelay $0x2  }
0xbb: {  	s31 =	sshll.u32 s1, $0xD;
	s1 =	sshrl.u32 s1, $0x2  }
0xbc: {  	s3 =	sand.u32 $0x4000, s31;
	s1 =	sadd.s32 s1, s30  }
0xbd: {  	s0 =	sor.u32 s3, s0;
	s1 =	sshll.u32 s1, $0x11  }
0xbe: {  	s0 =	sor.u32 s1, s0  }
0xbf: {  	s0 =	sadd.s32 $0x8F2B, s0  }
0xc0: {  	[sflag:s0] =	ssyncadd.remote.s32 $0x1  }
0xc1: {  	_ =	sfence.sel $0xFFFF  }
0xc2: {  	[dreg:$0x0] =	wrdreg $0xFFFFFFFF;
	(pc) =	sbr.abs _section_cstart, $3  }
0xc3: {  	[dreg:$0x1] =	wrdreg $0xFFFFFFFF  }
0xc4: {  	_ =	task.clear_ibuf [dreg:s9], $0x2FFFF;
	_ =	strace $0x9FFFFFFF  }
0xc5: {  	(tm) =	ssettm $0x7FFFFFFF  }
tec
execute0_lowered:
.L_overlay_start_1:
0x0: {  	(tag) =	ssettag $0x1  }
0x1: {  	s1 =	rddreg [dreg:$0x0]  }
0x2: {  	s4 =	rddreg [dreg:$0x1]  }
0x3: {  	s7 =	rddreg [dreg:$0x2]  }
0x4: {  	s0 =	rddreg [dreg:$0x3];
	s3 =	simm.s32 $0x0;
	s5 =	srdreg.scid  }
0x5: {  	s2 =	stileid.u32;
	s13 =	simm.s32 $0x5;
	s14 =	simm.s32 $0x80  }
0x6: {  	s15 =	simm.s32 $0x1C00;
	s16 =	simm.s32 $0x5C00;
	s17 =	simm.s32 $0x1  }
0x7: {  	s18 =	simm.s32 $0x3;
	s19 =	simm.s32 $0x2;
	s20 =	simm.s32 $0x4  }
0x8: {  	s21 =	simm.s32 $0x0;
	[smem:$0x7FF] =	sst s3;
	s8 =	sand.u32 $0x1, s5  }
0x9: {  	s6 =	sshll.u32 s2, $0x8;
	s11 =	sshll.u32 s2, $0xC;
	s5 =	ssub.s32 $0x2, s8  }
0xa: {  	s9 =	sshll.u32 s8, $0x7;
	_ =	strace $0x80000047;
	s11 =	sadd.s32 s11, s7  }
0xb: {  	s12 =	sshll.u32 s8, $0xB;
	s10 =	sshrl.u32 s5, $0x1;
	s6 =	sor.u32 s9, s6  }
0xc: {  	s9 =	sadd.s32 s12, s11;
	s11 =	simm.s32 $0x8000;
	s12 =	simm.s32 $0x1800  }
0xd: {  	s30 =	ssub.s32 s5, s10;
	s4 =	sadd.s32 s4, s6;
	s6 =	sshll.u32 s6, $0x4  }
0xe: {  	s10 =	simm.s32 $0x400;
	s5 =	sadd.s32 $0x6000, s4;
	s31 =	sadd.s32 s6, s7  }
0xf: {  	s8 =	smax.u32 s30, $0x1;
	s6 =	sadd.s32 $0x300000, s31;
	s7 =	sadd.s32 $0x310000, s31  }
.LBB2_1:
0x10: {  	[tilespmem:s3], [sflag:$0x5] =	stream.strided.gather [hbm4b:s4+s10], $0x1800, s11, s10, $0x38;
	[tilespmem:$0x9C00] =	vst v63  }
0x11: {  	_ = 	snop  }
0x12: {  	[tilespmem:s12], [sflag:$0x5] =	stream.linear.gather [hbm4b:s5+s3], $0x100, $0x38;
	[tilespmem:$0x9C00] =	vst v63  }
0x13: {  	_ =	swait.ge [sflag:s13], $0x1900  }
0x14: {  	[sflag:s13] =	ssyncset.done $0x0  }
0x15: {  	[sflag:s13] =	ssyncadd.s32 $0xFFFFE700  }
0x16: {  	[tilespmem:s15], [sflag:$0x1] =	stream.indirect.gather [hbm4b:s1+s14], $0x80, s3, s14, $0xb8;
	[tilespmem:$0x9C00] =	vst v63  }
0x17: {  	_ = 	snop  }
0x18: {  	[tilespmem:s16], [sflag:$0x2] =	stream.indirect.gather [hbm4b:s1+s14], $0x80, s14, s14, $0xb8;
	[tilespmem:$0x9C00] =	vst v63  }
0x19: {  	_ =	swait.ge [sflag:s17], $0x4000  }
0x1a: {  	[sflag:s17] =	ssyncset.done $0x0  }
0x1b: {  	s22 =	sadd.s32 $0x0, s9;
	[sflag:s17] =	ssyncadd.s32 $0xFFFFC000  }
0x1c: {  	[hbm4b:s22+s3] =	stream.linear.scatter [tilespmem:s15], [sflag:$0x3], $0x4000, $0x38;
	[tilespmem:$0x9C00] =	vst v63  }
0x1d: {  	_ =	swait.ge [sflag:s18], $0x4000  }
0x1e: {  	[sflag:s18] =	ssyncset.done $0x0  }
0x1f: {  	s23 =	simm.s32 $0x100;
	[sflag:s18] =	ssyncadd.s32 $0xFFFFC000  }
0x20: {  	[tilespmem:s15], [sflag:$0x1] =	stream.indirect.gather [hbm4b:s1+s14], $0x80, s23, s14, $0xb8;
	[tilespmem:$0x9C00] =	vst v63  }
0x21: {  	_ =	swait.ge [sflag:s19], $0x4000  }
0x22: {  	[sflag:s19] =	ssyncset.done $0x0  }
0x23: {  	s22 =	sadd.s32 $0x10000, s22;
	[sflag:s19] =	ssyncadd.s32 $0xFFFFC000  }
0x24: {  	[hbm4b:s22+s3] =	stream.linear.scatter [tilespmem:s16], [sflag:$0x4], $0x4000, $0x38;
	[tilespmem:$0x9C00] =	vst v63  }
0x25: {  	_ =	swait.ge [sflag:s20], $0x4000  }
0x26: {  	s24 =	simm.s32 $0x280;
	[sflag:s20] =	ssyncset.done $0x0  }
0x27: {  	s23 =	simm.s32 $0x20000;
	s22 =	simm.s32 $0x180;
	[sflag:s20] =	ssyncadd.s32 $0xFFFFC000  }
.LBB2_2:
0x28: {  	[tilespmem:s16], [sflag:$0x2] =	stream.indirect.gather [hbm4b:s1+s14], $0x80, s22, s14, $0xb8;
	[tilespmem:$0x9C00] =	vst v63  }
0x29: {  	s25 =	smov.u32 s23;
	s22 =	smov.u32 s24  }
0x2a: {  	p0 =	sne.s32 s23, $0x2E0000;
	s23 =	sadd.s32 $0x20000, s23;
	_ =	swait.ge [sflag:s17], $0x4000  }
0x2b: {  	[sflag:s17] =	ssyncset.done $0x0  }
0x2c: {  	s25 =	sadd.s32 s25, s9;
	[sflag:s17] =	ssyncadd.s32 $0xFFFFC000  }
0x2d: {  	[hbm4b:s25+s3] =	stream.linear.scatter [tilespmem:s15], [sflag:$0x3], $0x4000, $0x38;
	[tilespmem:$0x9C00] =	vst v63  }
0x2e: {  	_ =	swait.ge [sflag:s18], $0x4000  }
0x2f: {  	[sflag:s18] =	ssyncset.done $0x0  }
0x30: {  	s26 =	sadd.s32 $0xFFFFFF80, s24;
	[sflag:s18] =	ssyncadd.s32 $0xFFFFC000  }
0x31: {  	[tilespmem:s15], [sflag:$0x1] =	stream.indirect.gather [hbm4b:s1+s14], $0x80, s26, s14, $0xb8;
	[tilespmem:$0x9C00] =	vst v63  }
0x32: {  	_ =	swait.ge [sflag:s19], $0x4000  }
0x33: {  	[sflag:s19] =	ssyncset.done $0x0  }
.Ltmp0:
0x34: {  	s25 =	sadd.s32 $0x10000, s25;
	[sflag:s19] =	ssyncadd.s32 $0xFFFFC000;
	(pc) =	sbr.rel @p0 .LBB2_2-.Ltmp0, $4  }
0x35: {  	[hbm4b:s25+s3] =	stream.linear.scatter [tilespmem:s16], [sflag:$0x4], $0x4000, $0x38;
	[tilespmem:$0x9C00] =	vst v63  }
0x36: {  	_ =	swait.ge [sflag:s20], $0x4000  }
0x37: {  	[sflag:s20] =	ssyncset.done $0x0  }
0x38: {  	s24 =	sadd.s32 $0x100, s24;
	[sflag:s20] =	ssyncadd.s32 $0xFFFFC000  }
0x39: {  	[tilespmem:s16], [sflag:$0x2] =	stream.indirect.gather [hbm4b:s1+s14], $0x80, s22, s14, $0xb8;
	[tilespmem:$0x9C00] =	vst v63  }
0x3a: {  	_ =	swait.ge [sflag:s17], $0x4000  }
0x3b: {  	[sflag:s17] =	ssyncset.done $0x0  }
0x3c: {  	[sflag:s17] =	ssyncadd.s32 $0xFFFFC000  }
0x3d: {  	[hbm4b:s6+s3] =	stream.linear.scatter [tilespmem:s15], [sflag:$0x3], $0x4000, $0x38;
	[tilespmem:$0x9C00] =	vst v63  }
0x3e: {  	_ =	swait.ge [sflag:s19], $0x4000  }
0x3f: {  	[sflag:s19] =	ssyncset.done $0x0  }
0x40: {  	s21 =	sadd.s32 $0x1, s21;
	[sflag:s19] =	ssyncadd.s32 $0xFFFFC000  }
0x41: {  	[hbm4b:s7+s3] =	stream.linear.scatter [tilespmem:s16], [sflag:$0x4], $0x4000, $0x38;
	[tilespmem:$0x9C00] =	vst v63  }
0x42: {  	p0 =	sne.s32 s21, s8;
	_ =	swait.ge [sflag:s18], $0x4000  }
.Ltmp1:
0x43: {  	[sflag:s18] =	ssyncset.done $0x0;
	(pc) =	sbr.rel @p0 .LBB2_1-.Ltmp1, $4  }
0x44: {  	[sflag:s18] =	ssyncadd.s32 $0xFFFFC000  }
0x45: {  	_ =	swait.ge [sflag:s20], $0x4000  }
0x46: {  	[sflag:s20] =	ssyncset.done $0x0  }
0x47: {  	[sflag:s20] =	ssyncadd.s32 $0xFFFFC000  }
0x48: {  	_ =	sfence.sel $0x180000  }
0x49: {  	[bflag:$0x0] =	sbarrier.arrive $0xFFFF  }
0x4a: {  	p0 =	sne.s32 s2, $0x0;
	_ =	strace $0x90000047  }
0x4b: {  	s0 =	sadd.s32 @!p0 $0x100000, s0;
	[bflag:$0x2] =	sbarrier.arrive $0xFFFF  }
0x4c: {  	[sflag:s0] =	ssyncadd.tile.s32 @!p0 $0x1;
	_ =	shalt  }
.Lfunc_end2:
_tile_overlayer_lowered:
.L_overlay_start_2:
0x4d: {  	(tag) =	ssettag $0x2  }
0x4e: {  	s0 =	rddreg [dreg:$0x0];
	s2 =	stileid.u32  }
0x4f: {  	s1 =	rddreg [dreg:$0x1];
	p0 =	sne.s32 s2, $0x0  }
0x50: {  	s3 =	rddreg [dreg:$0x2];
	[bflag:$0x3] =	sbarrier.arrive $0xFFFF;
	s2 =	simm.s32 @!p0 $0x1C05  }
0x51: {  	[timem:s3], [sflag:s2] =	dma.local @!p0 [hbm:s0], s1  }
0x52: {  	s0 =	simm.s32 @!p0 $0x5  }
0x53: {  	_ =	swait.ge @!p0 [sflag:s0], s1  }
0x54: {  	s1 =	ssub.s32 @!p0 $0x0, s1;
	[sflag:s0] =	ssyncset.done @!p0 $0x0  }
0x55: {  	[sflag:s0] =	ssyncadd.s32 @!p0 s1  }
0x56: {  	[bflag:$0x3] =	sbarrier.arrive $0xFFFF  }
0x57: {  	_ =	shalt  }

</sc_bundles>
